<compile_context>
chip_gen: v7x
topology: tpu7x:2x2x1
jax: 0.10.2.dev20260603
libtpu: 0.0.44.dev20260713+nightly
codegen_flags: <defaults>
</compile_context>

<pallas_src>
import functools

import jax
import jax.numpy as jnp
import numpy as np
from jax import lax
from jax.experimental import pallas as pl
from jax.experimental.pallas import tpu as pltpu
from jax.experimental.pallas import tpu_sc as plsc

_NUM_VOCAB = 1000000
_NUM_HID = 64
_BATCH = 4096
_SEQ = 200

_NC = 2
_NS = 16
_NW = _NC * _NS

_ROWS = _BATCH * _SEQ
_ROWS_PER_W = _ROWS // _NW
_CHUNK = 512
_GATHER = 128
_NG = _CHUNK // _GATHER
_NCHUNK = _ROWS_PER_W // _CHUNK


def _positional_encoding() -> np.ndarray:
    depth = _NUM_HID // 2
    positions = np.arange(_SEQ, dtype=np.float32)[:, None]
    depths = np.arange(depth, dtype=np.float32)[None, :] / np.float32(depth)
    angle_rates = (1.0 / np.power(np.float32(10000.0), depths)).astype(np.float32)
    angle_rads = positions * angle_rates
    return np.concatenate(
        [np.sin(angle_rads), np.cos(angle_rads)], axis=-1).astype(np.float32)


_POS_NP = _positional_encoding()
_SCALE = float(np.sqrt(np.float32(_NUM_HID)))


def _sc_body(x_hbm, pos_hbm, table_hbm, out_hbm, idx_v, rows_v, pos_v, sem):
    wid = lax.axis_index("s") * _NC + lax.axis_index("c")
    base = wid * _ROWS_PER_W
    xrow = wid * (_ROWS_PER_W // _GATHER)

    pltpu.sync_copy(pos_hbm, pos_v)

    def chunk_body(c, _):
        pltpu.sync_copy(x_hbm.at[pl.ds(xrow + c * _NG, _NG)], idx_v)
        descs = [
            pltpu.async_copy(
                table_hbm.at[idx_v.at[g]],
                rows_v.at[pl.ds(g * _GATHER, _GATHER)],
                sem,
            )
            for g in range(_NG)
        ]
        for d in descs:
            d.wait()

        p0 = lax.rem(c * _CHUNK, _SEQ)

        def row_body(r, p):
            for j in range(_NUM_HID // 16):
                sl = pl.ds(j * 16, 16)
                rows_v[r, sl] = rows_v[r, sl] * _SCALE + pos_v[p, sl]
            p = p + 1
            return jnp.where(p >= _SEQ, 0, p)

        lax.fori_loop(0, _CHUNK, row_body, p0, unroll=2)

        pltpu.sync_copy(rows_v, out_hbm.at[pl.ds(base + c * _CHUNK, _CHUNK)])
        return ()

    lax.fori_loop(0, _NCHUNK, chunk_body, ())


@functools.partial(jax.jit, static_argnames=())
def _run(x_flat2d, pos, emb_table):
    mesh = plsc.VectorSubcoreMesh(core_axis_name="c", subcore_axis_name="s")
    f = functools.partial(
        pl.kernel,
        mesh=mesh,
        out_type=jax.ShapeDtypeStruct((_ROWS, _NUM_HID), jnp.float32),
        scratch_types=[
            pltpu.VMEM((_NG, _GATHER), jnp.int32),
            pltpu.VMEM((_CHUNK, _NUM_HID), jnp.float32),
            pltpu.VMEM((_SEQ, _NUM_HID), jnp.float32),
            pltpu.SemaphoreType.DMA,
        ],
        compiler_params=pltpu.CompilerParams(use_tc_tiling_on_sc=False),
    )(_sc_body)
    return f(x_flat2d, pos, emb_table)


def kernel(x, emb_table):
    x_flat2d = x.reshape(_ROWS // _GATHER, _GATHER)
    pos = jnp.asarray(_POS_NP)
    out = _run(x_flat2d, pos, emb_table)
    return out.reshape(_BATCH, _SEQ, _NUM_HID)

# --- scband reference (transcript-rebuilt; emitter-appended) ---
"""Pipeline reference for scband-token-embedding-76493367542366 (READ-ONLY COPY).

The authoritative reference and input builder live on the scoring server;
editing this copy changes nothing except your own understanding.
"""

import jax, jax.numpy as jnp
import numpy as np

NUM_VOCAB = 1000000
MAXLEN = 201
NUM_HID = 64
BATCH = 4096
SEQ = 200


def positional_encoding(maxlen, num_hid):
    depth = num_hid // 2
    positions = jnp.arange(maxlen, dtype=jnp.float32)[:, None]
    depths = jnp.arange(depth, dtype=jnp.float32)[None, :] / float(depth)
    angle_rates = 1.0 / jnp.power(jnp.float32(10000.0), depths)
    angle_rads = positions @ angle_rates
    return jnp.concatenate([jnp.sin(angle_rads), jnp.cos(angle_rads)], axis=-1)


def setup_inputs(seed: int = 0) -> dict:
    key = jax.random.key(seed)
    k1, k2 = jax.random.split(key)
    x = jax.random.randint(k1, (BATCH, SEQ), 0, NUM_VOCAB, dtype=jnp.int32)
    emb_table = jax.random.normal(k2, (NUM_VOCAB, NUM_HID), dtype=jnp.float32) * 0.05
    return {"x": x, "emb_table": emb_table}


def reference(x, emb_table):
    # embedding lookup (gather)
    h = jnp.take(emb_table, x, axis=0)
    h = h * jnp.sqrt(jnp.float32(NUM_HID))
    pos_emb = positional_encoding(MAXLEN - 1, NUM_HID)
    seqlen = x.shape[-1]
    return h + pos_emb[:seqlen, :]

if __name__ == "__main__":
    import jax
    _d = setup_inputs()
    print(jax.jit(kernel)(*tuple(_d.values())))

</pallas_src>

<mosaic_0001>
#map = affine_map<(d0, d1) -> (0, 0)>
module attributes {stable_mosaic.version = 14 : i64} {
  func.func @_sc_body(%arg0: i32, %arg1: i32, %arg2: memref<6400x128xi32, #tpu.memory_space<hbm>>, %arg3: memref<200x64xf32, #tpu.memory_space<hbm>>, %arg4: memref<1000000x64xf32, #tpu.memory_space<hbm>>, %arg5: memref<819200x64xf32, #tpu.memory_space<hbm>>, %arg6: memref<4x128xi32, #tpu.memory_space<vmem>>, %arg7: memref<512x64xf32, #tpu.memory_space<vmem>>, %arg8: memref<200x64xf32, #tpu.memory_space<vmem>>, %arg9: memref<!tpu.dma_semaphore, #tpu.memory_space<semaphore_mem>>) attributes {dimension_semantics = [#tpu.dimension_semantics<core_parallel>, #tpu.dimension_semantics<subcore_parallel>], iteration_bounds = array<i64: 2, 16>, scalar_prefetch = 0 : i64, scratch_operands = 4 : i64, tpu.core_type = #tpu.core_type<sc_vector_subcore>, window_params = [{transform_indices = #map}, {transform_indices = #map}, {transform_indices = #map}, {transform_indices = #map}]} {
    %mul3A = arith.constant 2 : i32
    %mul3A_0 = arith.muli %arg1, %mul3A : i32
    %add3A = arith.addi %mul3A_0, %arg0 : i32
    %mul3A_1 = arith.constant 25600 : i32
    %mul3A_2 = arith.muli %add3A, %mul3A_1 : i32
    %mul3A_3 = arith.constant 200 : i32
    %mul3A_4 = arith.muli %add3A, %mul3A_3 : i32
    "tpu.region"() ({
      %run_scoped3A = tpu.sem_alloc : memref<!tpu.dma_semaphore, #tpu.memory_space<semaphore_mem>>
      tpu.enqueue_dma source(%arg3 : memref<200x64xf32, #tpu.memory_space<hbm>>) target(%arg8 : memref<200x64xf32, #tpu.memory_space<vmem>>) target_semaphore(%run_scoped3A : memref<!tpu.dma_semaphore, #tpu.memory_space<semaphore_mem>>)
      tpu.wait_dma2 semaphore(%run_scoped3A : memref<!tpu.dma_semaphore, #tpu.memory_space<semaphore_mem>>) src(%arg3 : memref<200x64xf32, #tpu.memory_space<hbm>>) dst(%arg8 : memref<200x64xf32, #tpu.memory_space<vmem>>)
      tpu.yield
    }) : () -> ()
    %scan3A = arith.constant 0 : i32
    %scan3A_5 = arith.constant 50 : i32
    %scan3A_6 = arith.addi %scan3A, %scan3A_5 : i32
    %scan3A_7 = arith.constant 1 : i32
    scf.for %scan3A_9 = %scan3A to %scan3A_6 step %scan3A_7  : i32 {
      %mul3A_10 = arith.constant 4 : i32
      %mul3A_11 = arith.muli %scan3A_9, %mul3A_10 : i32
      %add3A_12 = arith.addi %mul3A_4, %mul3A_11 : i32
      "tpu.region"() ({
        %run_scoped3A = tpu.sem_alloc : memref<!tpu.dma_semaphore, #tpu.memory_space<semaphore_mem>>
        %dma_start3A_103 = arith.constant 0 : i32
        %dma_start3A_104 = tpu.memref_slice %arg2[%add3A_12, %dma_start3A_103] : memref<6400x128xi32, #tpu.memory_space<hbm>> -> memref<4x128xi32, #tpu.memory_space<hbm>>
        %dma_start3A_105 = arith.constant 0 : i32
        %dma_start3A_106 = tpu.memref_slice %arg2[%add3A_12, %dma_start3A_105] : memref<6400x128xi32, #tpu.memory_space<hbm>> -> memref<4x128xi32, #tpu.memory_space<hbm>>
        tpu.enqueue_dma source(%dma_start3A_106 : memref<4x128xi32, #tpu.memory_space<hbm>>) target(%arg6 : memref<4x128xi32, #tpu.memory_space<vmem>>) target_semaphore(%run_scoped3A : memref<!tpu.dma_semaphore, #tpu.memory_space<semaphore_mem>>)
        %dma_wait3A_107 = arith.constant 0 : i32
        %dma_wait3A_108 = tpu.memref_slice %arg2[%add3A_12, %dma_wait3A_107] : memref<6400x128xi32, #tpu.memory_space<hbm>> -> memref<4x128xi32, #tpu.memory_space<hbm>>
        %dma_wait3A_109 = arith.constant 0 : i32
        %dma_wait3A_110 = tpu.memref_slice %arg2[%add3A_12, %dma_wait3A_109] : memref<6400x128xi32, #tpu.memory_space<hbm>> -> memref<4x128xi32, #tpu.memory_space<hbm>>
        tpu.wait_dma2 semaphore(%run_scoped3A : memref<!tpu.dma_semaphore, #tpu.memory_space<semaphore_mem>>) src(%dma_wait3A_110 : memref<4x128xi32, #tpu.memory_space<hbm>>) dst(%arg6 : memref<4x128xi32, #tpu.memory_space<vmem>>)
        tpu.yield
      }) : () -> ()
      %dma_start3A = arith.constant 0 : i32
      %dma_start3A_13 = arith.constant 0 : i32
      %dma_start3A_14 = arith.constant 0 : i32
      %dma_start3A_15 = tpu.memref_slice %arg7[%dma_start3A_13, %dma_start3A_14] : memref<512x64xf32, #tpu.memory_space<vmem>> -> memref<128x64xf32, #tpu.memory_space<vmem>>
      %dma_start3A_16 = arith.constant 0 : i32
      %dma_start3A_17 = tpu.memref_slice %arg6[%dma_start3A, %dma_start3A_16] : memref<4x128xi32, #tpu.memory_space<vmem>> -> memref<1x128xi32, #tpu.memory_space<vmem>>
      %dma_start3A_18 = tpu.memref_squeeze %dma_start3A_17 : memref<1x128xi32, #tpu.memory_space<vmem>> -> memref<128xi32, #tpu.memory_space<vmem>>
      %dma_start3A_19 = arith.constant 0 : i32
      %dma_start3A_20 = arith.constant 0 : i32
      %dma_start3A_21 = tpu.memref_slice %arg4[%dma_start3A_19, %dma_start3A_20] : memref<1000000x64xf32, #tpu.memory_space<hbm>> -> memref<1000000x64xf32, #tpu.memory_space<hbm>>
      tpu.enqueue_indirect_dma source(%dma_start3A_21 : memref<1000000x64xf32, #tpu.memory_space<hbm>>) target(%dma_start3A_15 : memref<128x64xf32, #tpu.memory_space<vmem>>) offsets(%dma_start3A_18 : memref<128xi32, #tpu.memory_space<vmem>>) semaphore(%arg9 : memref<!tpu.dma_semaphore, #tpu.memory_space<semaphore_mem>>)
      %dma_start3A_22 = arith.constant 1 : i32
      %dma_start3A_23 = arith.constant 128 : i32
      %dma_start3A_24 = arith.constant 0 : i32
      %dma_start3A_25 = tpu.memref_slice %arg7[%dma_start3A_23, %dma_start3A_24] : memref<512x64xf32, #tpu.memory_space<vmem>> -> memref<128x64xf32, #tpu.memory_space<vmem>>
      %dma_start3A_26 = arith.constant 0 : i32
      %dma_start3A_27 = tpu.memref_slice %arg6[%dma_start3A_22, %dma_start3A_26] : memref<4x128xi32, #tpu.memory_space<vmem>> -> memref<1x128xi32, #tpu.memory_space<vmem>>
      %dma_start3A_28 = tpu.memref_squeeze %dma_start3A_27 : memref<1x128xi32, #tpu.memory_space<vmem>> -> memref<128xi32, #tpu.memory_space<vmem>>
      %dma_start3A_29 = arith.constant 0 : i32
      %dma_start3A_30 = arith.constant 0 : i32
      %dma_start3A_31 = tpu.memref_slice %arg4[%dma_start3A_29, %dma_start3A_30] : memref<1000000x64xf32, #tpu.memory_space<hbm>> -> memref<1000000x64xf32, #tpu.memory_space<hbm>>
      tpu.enqueue_indirect_dma source(%dma_start3A_31 : memref<1000000x64xf32, #tpu.memory_space<hbm>>) target(%dma_start3A_25 : memref<128x64xf32, #tpu.memory_space<vmem>>) offsets(%dma_start3A_28 : memref<128xi32, #tpu.memory_space<vmem>>) semaphore(%arg9 : memref<!tpu.dma_semaphore, #tpu.memory_space<semaphore_mem>>)
      %dma_start3A_32 = arith.constant 2 : i32
      %dma_start3A_33 = arith.constant 256 : i32
      %dma_start3A_34 = arith.constant 0 : i32
      %dma_start3A_35 = tpu.memref_slice %arg7[%dma_start3A_33, %dma_start3A_34] : memref<512x64xf32, #tpu.memory_space<vmem>> -> memref<128x64xf32, #tpu.memory_space<vmem>>
      %dma_start3A_36 = arith.constant 0 : i32
      %dma_start3A_37 = tpu.memref_slice %arg6[%dma_start3A_32, %dma_start3A_36] : memref<4x128xi32, #tpu.memory_space<vmem>> -> memref<1x128xi32, #tpu.memory_space<vmem>>
      %dma_start3A_38 = tpu.memref_squeeze %dma_start3A_37 : memref<1x128xi32, #tpu.memory_space<vmem>> -> memref<128xi32, #tpu.memory_space<vmem>>
      %dma_start3A_39 = arith.constant 0 : i32
      %dma_start3A_40 = arith.constant 0 : i32
      %dma_start3A_41 = tpu.memref_slice %arg4[%dma_start3A_39, %dma_start3A_40] : memref<1000000x64xf32, #tpu.memory_space<hbm>> -> memref<1000000x64xf32, #tpu.memory_space<hbm>>
      tpu.enqueue_indirect_dma source(%dma_start3A_41 : memref<1000000x64xf32, #tpu.memory_space<hbm>>) target(%dma_start3A_35 : memref<128x64xf32, #tpu.memory_space<vmem>>) offsets(%dma_start3A_38 : memref<128xi32, #tpu.memory_space<vmem>>) semaphore(%arg9 : memref<!tpu.dma_semaphore, #tpu.memory_space<semaphore_mem>>)
      %dma_start3A_42 = arith.constant 3 : i32
      %dma_start3A_43 = arith.constant 384 : i32
      %dma_start3A_44 = arith.constant 0 : i32
      %dma_start3A_45 = tpu.memref_slice %arg7[%dma_start3A_43, %dma_start3A_44] : memref<512x64xf32, #tpu.memory_space<vmem>> -> memref<128x64xf32, #tpu.memory_space<vmem>>
      %dma_start3A_46 = arith.constant 0 : i32
      %dma_start3A_47 = tpu.memref_slice %arg6[%dma_start3A_42, %dma_start3A_46] : memref<4x128xi32, #tpu.memory_space<vmem>> -> memref<1x128xi32, #tpu.memory_space<vmem>>
      %dma_start3A_48 = tpu.memref_squeeze %dma_start3A_47 : memref<1x128xi32, #tpu.memory_space<vmem>> -> memref<128xi32, #tpu.memory_space<vmem>>
      %dma_start3A_49 = arith.constant 0 : i32
      %dma_start3A_50 = arith.constant 0 : i32
      %dma_start3A_51 = tpu.memref_slice %arg4[%dma_start3A_49, %dma_start3A_50] : memref<1000000x64xf32, #tpu.memory_space<hbm>> -> memref<1000000x64xf32, #tpu.memory_space<hbm>>
      tpu.enqueue_indirect_dma source(%dma_start3A_51 : memref<1000000x64xf32, #tpu.memory_space<hbm>>) target(%dma_start3A_45 : memref<128x64xf32, #tpu.memory_space<vmem>>) offsets(%dma_start3A_48 : memref<128xi32, #tpu.memory_space<vmem>>) semaphore(%arg9 : memref<!tpu.dma_semaphore, #tpu.memory_space<semaphore_mem>>)
      %dma_wait3A = arith.constant 0 : i32
      %dma_wait3A_52 = arith.constant 0 : i32
      %dma_wait3A_53 = arith.constant 0 : i32
      %dma_wait3A_54 = tpu.memref_slice %arg7[%dma_wait3A_52, %dma_wait3A_53] : memref<512x64xf32, #tpu.memory_space<vmem>> -> memref<128x64xf32, #tpu.memory_space<vmem>>
      %dma_wait3A_55 = arith.constant 0 : i32
      %dma_wait3A_56 = tpu.memref_slice %arg6[%dma_wait3A, %dma_wait3A_55] : memref<4x128xi32, #tpu.memory_space<vmem>> -> memref<1x128xi32, #tpu.memory_space<vmem>>
      %dma_wait3A_57 = tpu.memref_squeeze %dma_wait3A_56 : memref<1x128xi32, #tpu.memory_space<vmem>> -> memref<128xi32, #tpu.memory_space<vmem>>
      %dma_wait3A_58 = arith.constant 0 : i32
      %dma_wait3A_59 = arith.constant 0 : i32
      %dma_wait3A_60 = tpu.memref_slice %arg4[%dma_wait3A_58, %dma_wait3A_59] : memref<1000000x64xf32, #tpu.memory_space<hbm>> -> memref<1000000x64xf32, #tpu.memory_space<hbm>>
      tpu.wait_indirect_dma semaphore(%arg9 : memref<!tpu.dma_semaphore, #tpu.memory_space<semaphore_mem>>) src(%dma_wait3A_60 : memref<1000000x64xf32, #tpu.memory_space<hbm>>) dst(%dma_wait3A_54 : memref<128x64xf32, #tpu.memory_space<vmem>>)
      %dma_wait3A_61 = arith.constant 1 : i32
      %dma_wait3A_62 = arith.constant 128 : i32
      %dma_wait3A_63 = arith.constant 0 : i32
      %dma_wait3A_64 = tpu.memref_slice %arg7[%dma_wait3A_62, %dma_wait3A_63] : memref<512x64xf32, #tpu.memory_space<vmem>> -> memref<128x64xf32, #tpu.memory_space<vmem>>
      %dma_wait3A_65 = arith.constant 0 : i32
      %dma_wait3A_66 = tpu.memref_slice %arg6[%dma_wait3A_61, %dma_wait3A_65] : memref<4x128xi32, #tpu.memory_space<vmem>> -> memref<1x128xi32, #tpu.memory_space<vmem>>
      %dma_wait3A_67 = tpu.memref_squeeze %dma_wait3A_66 : memref<1x128xi32, #tpu.memory_space<vmem>> -> memref<128xi32, #tpu.memory_space<vmem>>
      %dma_wait3A_68 = arith.constant 0 : i32
      %dma_wait3A_69 = arith.constant 0 : i32
      %dma_wait3A_70 = tpu.memref_slice %arg4[%dma_wait3A_68, %dma_wait3A_69] : memref<1000000x64xf32, #tpu.memory_space<hbm>> -> memref<1000000x64xf32, #tpu.memory_space<hbm>>
      tpu.wait_indirect_dma semaphore(%arg9 : memref<!tpu.dma_semaphore, #tpu.memory_space<semaphore_mem>>) src(%dma_wait3A_70 : memref<1000000x64xf32, #tpu.memory_space<hbm>>) dst(%dma_wait3A_64 : memref<128x64xf32, #tpu.memory_space<vmem>>)
      %dma_wait3A_71 = arith.constant 2 : i32
      %dma_wait3A_72 = arith.constant 256 : i32
      %dma_wait3A_73 = arith.constant 0 : i32
      %dma_wait3A_74 = tpu.memref_slice %arg7[%dma_wait3A_72, %dma_wait3A_73] : memref<512x64xf32, #tpu.memory_space<vmem>> -> memref<128x64xf32, #tpu.memory_space<vmem>>
      %dma_wait3A_75 = arith.constant 0 : i32
      %dma_wait3A_76 = tpu.memref_slice %arg6[%dma_wait3A_71, %dma_wait3A_75] : memref<4x128xi32, #tpu.memory_space<vmem>> -> memref<1x128xi32, #tpu.memory_space<vmem>>
      %dma_wait3A_77 = tpu.memref_squeeze %dma_wait3A_76 : memref<1x128xi32, #tpu.memory_space<vmem>> -> memref<128xi32, #tpu.memory_space<vmem>>
      %dma_wait3A_78 = arith.constant 0 : i32
      %dma_wait3A_79 = arith.constant 0 : i32
      %dma_wait3A_80 = tpu.memref_slice %arg4[%dma_wait3A_78, %dma_wait3A_79] : memref<1000000x64xf32, #tpu.memory_space<hbm>> -> memref<1000000x64xf32, #tpu.memory_space<hbm>>
      tpu.wait_indirect_dma semaphore(%arg9 : memref<!tpu.dma_semaphore, #tpu.memory_space<semaphore_mem>>) src(%dma_wait3A_80 : memref<1000000x64xf32, #tpu.memory_space<hbm>>) dst(%dma_wait3A_74 : memref<128x64xf32, #tpu.memory_space<vmem>>)
      %dma_wait3A_81 = arith.constant 3 : i32
      %dma_wait3A_82 = arith.constant 384 : i32
      %dma_wait3A_83 = arith.constant 0 : i32
      %dma_wait3A_84 = tpu.memref_slice %arg7[%dma_wait3A_82, %dma_wait3A_83] : memref<512x64xf32, #tpu.memory_space<vmem>> -> memref<128x64xf32, #tpu.memory_space<vmem>>
      %dma_wait3A_85 = arith.constant 0 : i32
      %dma_wait3A_86 = tpu.memref_slice %arg6[%dma_wait3A_81, %dma_wait3A_85] : memref<4x128xi32, #tpu.memory_space<vmem>> -> memref<1x128xi32, #tpu.memory_space<vmem>>
      %dma_wait3A_87 = tpu.memref_squeeze %dma_wait3A_86 : memref<1x128xi32, #tpu.memory_space<vmem>> -> memref<128xi32, #tpu.memory_space<vmem>>
      %dma_wait3A_88 = arith.constant 0 : i32
      %dma_wait3A_89 = arith.constant 0 : i32
      %dma_wait3A_90 = tpu.memref_slice %arg4[%dma_wait3A_88, %dma_wait3A_89] : memref<1000000x64xf32, #tpu.memory_space<hbm>> -> memref<1000000x64xf32, #tpu.memory_space<hbm>>
      tpu.wait_indirect_dma semaphore(%arg9 : memref<!tpu.dma_semaphore, #tpu.memory_space<semaphore_mem>>) src(%dma_wait3A_90 : memref<1000000x64xf32, #tpu.memory_space<hbm>>) dst(%dma_wait3A_84 : memref<128x64xf32, #tpu.memory_space<vmem>>)
      %mul3A_91 = arith.constant 512 : i32
      %mul3A_92 = arith.muli %scan3A_9, %mul3A_91 : i32
      %rem3A = arith.constant 200 : i32
      %rem3A_93 = arith.remsi %mul3A_92, %rem3A : i32
      %scan3A_94 = arith.constant 0 : i32
      %scan3A_95 = arith.constant 512 : i32
      %scan3A_96 = arith.addi %scan3A_94, %scan3A_95 : i32
      %scan3A_97 = arith.constant 2 : i32
      %scan3A_98 = scf.for %scan3A_103 = %scan3A_94 to %scan3A_96 step %scan3A_97 iter_args(%scan3A_104 = %rem3A_93) -> (i32)  : i32 {
        %get3A = arith.index_cast %scan3A_103 : i32 to index
        %get3A_105 = arith.constant 0 : index
        %get3A_106 = tpu.vector_load %arg7[%get3A, %get3A_105] {strides = array<i32>} : memref<512x64xf32, #tpu.memory_space<vmem>>, vector<1x16xf32>,
        %get3A_107 = vector.shape_cast %get3A_106 : vector<1x16xf32> to vector<16xf32>
        %mul3A_108 = arith.constant 8.000000e+00 : f32
        %mul3A_109 = vector.broadcast %mul3A_108 : f32 to vector<16xf32>
        %mul3A_110 = arith.mulf %get3A_107, %mul3A_109 : vector<16xf32>
        %get3A_111 = arith.index_cast %scan3A_104 : i32 to index
        %get3A_112 = arith.constant 0 : index
        %get3A_113 = tpu.vector_load %arg8[%get3A_111, %get3A_112] {strides = array<i32>} : memref<200x64xf32, #tpu.memory_space<vmem>>, vector<1x16xf32>,
        %get3A_114 = vector.shape_cast %get3A_113 : vector<1x16xf32> to vector<16xf32>
        %add3A_115 = arith.addf %mul3A_110, %get3A_114 : vector<16xf32>
        %swap3A = arith.index_cast %scan3A_103 : i32 to index
        %swap3A_116 = arith.constant 0 : index
        %swap3A_117 = tpu.vector_load %arg7[%swap3A, %swap3A_116] {strides = array<i32>} : memref<512x64xf32, #tpu.memory_space<vmem>>, vector<1x16xf32>,
        %swap3A_118 = vector.shape_cast %swap3A_117 : vector<1x16xf32> to vector<16xf32>
        %swap3A_119 = vector.shape_cast %add3A_115 : vector<16xf32> to vector<1x16xf32>
        tpu.vector_store %arg7[%swap3A, %swap3A_116], %swap3A_119 {strides = array<i32>} : memref<512x64xf32, #tpu.memory_space<vmem>>, vector<1x16xf32>,
        %get3A_120 = arith.index_cast %scan3A_103 : i32 to index
        %get3A_121 = arith.constant 16 : index
        %get3A_122 = tpu.vector_load %arg7[%get3A_120, %get3A_121] {strides = array<i32>} : memref<512x64xf32, #tpu.memory_space<vmem>>, vector<1x16xf32>,
        %get3A_123 = vector.shape_cast %get3A_122 : vector<1x16xf32> to vector<16xf32>
        %mul3A_124 = arith.constant 8.000000e+00 : f32
        %mul3A_125 = vector.broadcast %mul3A_124 : f32 to vector<16xf32>
        %mul3A_126 = arith.mulf %get3A_123, %mul3A_125 : vector<16xf32>
        %get3A_127 = arith.index_cast %scan3A_104 : i32 to index
        %get3A_128 = arith.constant 16 : index
        %get3A_129 = tpu.vector_load %arg8[%get3A_127, %get3A_128] {strides = array<i32>} : memref<200x64xf32, #tpu.memory_space<vmem>>, vector<1x16xf32>,
        %get3A_130 = vector.shape_cast %get3A_129 : vector<1x16xf32> to vector<16xf32>
        %add3A_131 = arith.addf %mul3A_126, %get3A_130 : vector<16xf32>
        %swap3A_132 = arith.index_cast %scan3A_103 : i32 to index
        %swap3A_133 = arith.constant 16 : index
        %swap3A_134 = tpu.vector_load %arg7[%swap3A_132, %swap3A_133] {strides = array<i32>} : memref<512x64xf32, #tpu.memory_space<vmem>>, vector<1x16xf32>,
        %swap3A_135 = vector.shape_cast %swap3A_134 : vector<1x16xf32> to vector<16xf32>
        %swap3A_136 = vector.shape_cast %add3A_131 : vector<16xf32> to vector<1x16xf32>
        tpu.vector_store %arg7[%swap3A_132, %swap3A_133], %swap3A_136 {strides = array<i32>} : memref<512x64xf32, #tpu.memory_space<vmem>>, vector<1x16xf32>,
        %get3A_137 = arith.index_cast %scan3A_103 : i32 to index
        %get3A_138 = arith.constant 32 : index
        %get3A_139 = tpu.vector_load %arg7[%get3A_137, %get3A_138] {strides = array<i32>} : memref<512x64xf32, #tpu.memory_space<vmem>>, vector<1x16xf32>,
        %get3A_140 = vector.shape_cast %get3A_139 : vector<1x16xf32> to vector<16xf32>
        %mul3A_141 = arith.constant 8.000000e+00 : f32
        %mul3A_142 = vector.broadcast %mul3A_141 : f32 to vector<16xf32>
        %mul3A_143 = arith.mulf %get3A_140, %mul3A_142 : vector<16xf32>
        %get3A_144 = arith.index_cast %scan3A_104 : i32 to index
        %get3A_145 = arith.constant 32 : index
        %get3A_146 = tpu.vector_load %arg8[%get3A_144, %get3A_145] {strides = array<i32>} : memref<200x64xf32, #tpu.memory_space<vmem>>, vector<1x16xf32>,
        %get3A_147 = vector.shape_cast %get3A_146 : vector<1x16xf32> to vector<16xf32>
        %add3A_148 = arith.addf %mul3A_143, %get3A_147 : vector<16xf32>
        %swap3A_149 = arith.index_cast %scan3A_103 : i32 to index
        %swap3A_150 = arith.constant 32 : index
        %swap3A_151 = tpu.vector_load %arg7[%swap3A_149, %swap3A_150] {strides = array<i32>} : memref<512x64xf32, #tpu.memory_space<vmem>>, vector<1x16xf32>,
        %swap3A_152 = vector.shape_cast %swap3A_151 : vector<1x16xf32> to vector<16xf32>
        %swap3A_153 = vector.shape_cast %add3A_148 : vector<16xf32> to vector<1x16xf32>
        tpu.vector_store %arg7[%swap3A_149, %swap3A_150], %swap3A_153 {strides = array<i32>} : memref<512x64xf32, #tpu.memory_space<vmem>>, vector<1x16xf32>,
        %get3A_154 = arith.index_cast %scan3A_103 : i32 to index
        %get3A_155 = arith.constant 48 : index
        %get3A_156 = tpu.vector_load %arg7[%get3A_154, %get3A_155] {strides = array<i32>} : memref<512x64xf32, #tpu.memory_space<vmem>>, vector<1x16xf32>,
        %get3A_157 = vector.shape_cast %get3A_156 : vector<1x16xf32> to vector<16xf32>
        %mul3A_158 = arith.constant 8.000000e+00 : f32
        %mul3A_159 = vector.broadcast %mul3A_158 : f32 to vector<16xf32>
        %mul3A_160 = arith.mulf %get3A_157, %mul3A_159 : vector<16xf32>
        %get3A_161 = arith.index_cast %scan3A_104 : i32 to index
        %get3A_162 = arith.constant 48 : index
        %get3A_163 = tpu.vector_load %arg8[%get3A_161, %get3A_162] {strides = array<i32>} : memref<200x64xf32, #tpu.memory_space<vmem>>, vector<1x16xf32>,
        %get3A_164 = vector.shape_cast %get3A_163 : vector<1x16xf32> to vector<16xf32>
        %add3A_165 = arith.addf %mul3A_160, %get3A_164 : vector<16xf32>
        %swap3A_166 = arith.index_cast %scan3A_103 : i32 to index
        %swap3A_167 = arith.constant 48 : index
        %swap3A_168 = tpu.vector_load %arg7[%swap3A_166, %swap3A_167] {strides = array<i32>} : memref<512x64xf32, #tpu.memory_space<vmem>>, vector<1x16xf32>,
        %swap3A_169 = vector.shape_cast %swap3A_168 : vector<1x16xf32> to vector<16xf32>
        %swap3A_170 = vector.shape_cast %add3A_165 : vector<16xf32> to vector<1x16xf32>
        tpu.vector_store %arg7[%swap3A_166, %swap3A_167], %swap3A_170 {strides = array<i32>} : memref<512x64xf32, #tpu.memory_space<vmem>>, vector<1x16xf32>,
        %add3A_171 = arith.constant 1 : i32
        %add3A_172 = arith.addi %scan3A_104, %add3A_171 : i32
        %ge3A = arith.constant 200 : i32
        %ge3A_173 = arith.cmpi sge, %add3A_172, %ge3A : i32
        %jit3A = arith.constant 0 : i32
        %select_n3A = arith.select %ge3A_173, %jit3A, %add3A_172 : i32
        %scan3A_174 = arith.constant 1 : i32
        %scan3A_175 = arith.addi %scan3A_103, %scan3A_174 : i32
        %get3A_176 = arith.index_cast %scan3A_175 : i32 to index
        %get3A_177 = arith.constant 0 : index
        %get3A_178 = tpu.vector_load %arg7[%get3A_176, %get3A_177] {strides = array<i32>} : memref<512x64xf32, #tpu.memory_space<vmem>>, vector<1x16xf32>,
        %get3A_179 = vector.shape_cast %get3A_178 : vector<1x16xf32> to vector<16xf32>
        %mul3A_180 = arith.constant 8.000000e+00 : f32
        %mul3A_181 = vector.broadcast %mul3A_180 : f32 to vector<16xf32>
        %mul3A_182 = arith.mulf %get3A_179, %mul3A_181 : vector<16xf32>
        %get3A_183 = arith.index_cast %select_n3A : i32 to index
        %get3A_184 = arith.constant 0 : index
        %get3A_185 = tpu.vector_load %arg8[%get3A_183, %get3A_184] {strides = array<i32>} : memref<200x64xf32, #tpu.memory_space<vmem>>, vector<1x16xf32>,
        %get3A_186 = vector.shape_cast %get3A_185 : vector<1x16xf32> to vector<16xf32>
        %add3A_187 = arith.addf %mul3A_182, %get3A_186 : vector<16xf32>
        %swap3A_188 = arith.index_cast %scan3A_175 : i32 to index
        %swap3A_189 = arith.constant 0 : index
        %swap3A_190 = tpu.vector_load %arg7[%swap3A_188, %swap3A_189] {strides = array<i32>} : memref<512x64xf32, #tpu.memory_space<vmem>>, vector<1x16xf32>,
        %swap3A_191 = vector.shape_cast %swap3A_190 : vector<1x16xf32> to vector<16xf32>
        %swap3A_192 = vector.shape_cast %add3A_187 : vector<16xf32> to vector<1x16xf32>
        tpu.vector_store %arg7[%swap3A_188, %swap3A_189], %swap3A_192 {strides = array<i32>} : memref<512x64xf32, #tpu.memory_space<vmem>>, vector<1x16xf32>,
        %get3A_193 = arith.index_cast %scan3A_175 : i32 to index
        %get3A_194 = arith.constant 16 : index
        %get3A_195 = tpu.vector_load %arg7[%get3A_193, %get3A_194] {strides = array<i32>} : memref<512x64xf32, #tpu.memory_space<vmem>>, vector<1x16xf32>,
        %get3A_196 = vector.shape_cast %get3A_195 : vector<1x16xf32> to vector<16xf32>
        %mul3A_197 = arith.constant 8.000000e+00 : f32
        %mul3A_198 = vector.broadcast %mul3A_197 : f32 to vector<16xf32>
        %mul3A_199 = arith.mulf %get3A_196, %mul3A_198 : vector<16xf32>
        %get3A_200 = arith.index_cast %select_n3A : i32 to index
        %get3A_201 = arith.constant 16 : index
        %get3A_202 = tpu.vector_load %arg8[%get3A_200, %get3A_201] {strides = array<i32>} : memref<200x64xf32, #tpu.memory_space<vmem>>, vector<1x16xf32>,
        %get3A_203 = vector.shape_cast %get3A_202 : vector<1x16xf32> to vector<16xf32>
        %add3A_204 = arith.addf %mul3A_199, %get3A_203 : vector<16xf32>
        %swap3A_205 = arith.index_cast %scan3A_175 : i32 to index
        %swap3A_206 = arith.constant 16 : index
        %swap3A_207 = tpu.vector_load %arg7[%swap3A_205, %swap3A_206] {strides = array<i32>} : memref<512x64xf32, #tpu.memory_space<vmem>>, vector<1x16xf32>,
        %swap3A_208 = vector.shape_cast %swap3A_207 : vector<1x16xf32> to vector<16xf32>
        %swap3A_209 = vector.shape_cast %add3A_204 : vector<16xf32> to vector<1x16xf32>
        tpu.vector_store %arg7[%swap3A_205, %swap3A_206], %swap3A_209 {strides = array<i32>} : memref<512x64xf32, #tpu.memory_space<vmem>>, vector<1x16xf32>,
        %get3A_210 = arith.index_cast %scan3A_175 : i32 to index
        %get3A_211 = arith.constant 32 : index
        %get3A_212 = tpu.vector_load %arg7[%get3A_210, %get3A_211] {strides = array<i32>} : memref<512x64xf32, #tpu.memory_space<vmem>>, vector<1x16xf32>,
        %get3A_213 = vector.shape_cast %get3A_212 : vector<1x16xf32> to vector<16xf32>
        %mul3A_214 = arith.constant 8.000000e+00 : f32
        %mul3A_215 = vector.broadcast %mul3A_214 : f32 to vector<16xf32>
        %mul3A_216 = arith.mulf %get3A_213, %mul3A_215 : vector<16xf32>
        %get3A_217 = arith.index_cast %select_n3A : i32 to index
        %get3A_218 = arith.constant 32 : index
        %get3A_219 = tpu.vector_load %arg8[%get3A_217, %get3A_218] {strides = array<i32>} : memref<200x64xf32, #tpu.memory_space<vmem>>, vector<1x16xf32>,
        %get3A_220 = vector.shape_cast %get3A_219 : vector<1x16xf32> to vector<16xf32>
        %add3A_221 = arith.addf %mul3A_216, %get3A_220 : vector<16xf32>
        %swap3A_222 = arith.index_cast %scan3A_175 : i32 to index
        %swap3A_223 = arith.constant 32 : index
        %swap3A_224 = tpu.vector_load %arg7[%swap3A_222, %swap3A_223] {strides = array<i32>} : memref<512x64xf32, #tpu.memory_space<vmem>>, vector<1x16xf32>,
        %swap3A_225 = vector.shape_cast %swap3A_224 : vector<1x16xf32> to vector<16xf32>
        %swap3A_226 = vector.shape_cast %add3A_221 : vector<16xf32> to vector<1x16xf32>
        tpu.vector_store %arg7[%swap3A_222, %swap3A_223], %swap3A_226 {strides = array<i32>} : memref<512x64xf32, #tpu.memory_space<vmem>>, vector<1x16xf32>,
        %get3A_227 = arith.index_cast %scan3A_175 : i32 to index
        %get3A_228 = arith.constant 48 : index
        %get3A_229 = tpu.vector_load %arg7[%get3A_227, %get3A_228] {strides = array<i32>} : memref<512x64xf32, #tpu.memory_space<vmem>>, vector<1x16xf32>,
        %get3A_230 = vector.shape_cast %get3A_229 : vector<1x16xf32> to vector<16xf32>
        %mul3A_231 = arith.constant 8.000000e+00 : f32
        %mul3A_232 = vector.broadcast %mul3A_231 : f32 to vector<16xf32>
        %mul3A_233 = arith.mulf %get3A_230, %mul3A_232 : vector<16xf32>
        %get3A_234 = arith.index_cast %select_n3A : i32 to index
        %get3A_235 = arith.constant 48 : index
        %get3A_236 = tpu.vector_load %arg8[%get3A_234, %get3A_235] {strides = array<i32>} : memref<200x64xf32, #tpu.memory_space<vmem>>, vector<1x16xf32>,
        %get3A_237 = vector.shape_cast %get3A_236 : vector<1x16xf32> to vector<16xf32>
        %add3A_238 = arith.addf %mul3A_233, %get3A_237 : vector<16xf32>
        %swap3A_239 = arith.index_cast %scan3A_175 : i32 to index
        %swap3A_240 = arith.constant 48 : index
        %swap3A_241 = tpu.vector_load %arg7[%swap3A_239, %swap3A_240] {strides = array<i32>} : memref<512x64xf32, #tpu.memory_space<vmem>>, vector<1x16xf32>,
        %swap3A_242 = vector.shape_cast %swap3A_241 : vector<1x16xf32> to vector<16xf32>
        %swap3A_243 = vector.shape_cast %add3A_238 : vector<16xf32> to vector<1x16xf32>
        tpu.vector_store %arg7[%swap3A_239, %swap3A_240], %swap3A_243 {strides = array<i32>} : memref<512x64xf32, #tpu.memory_space<vmem>>, vector<1x16xf32>,
        %add3A_244 = arith.constant 1 : i32
        %add3A_245 = arith.addi %select_n3A, %add3A_244 : i32
        %ge3A_246 = arith.constant 200 : i32
        %ge3A_247 = arith.cmpi sge, %add3A_245, %ge3A_246 : i32
        %jit3A_248 = arith.constant 0 : i32
        %select_n3A_249 = arith.select %ge3A_247, %jit3A_248, %add3A_245 : i32
        scf.yield %select_n3A_249 : i32
      }
      %scan3A_99 = arith.constant 512 : i32
      %mul3A_100 = arith.constant 512 : i32
      %mul3A_101 = arith.muli %scan3A_9, %mul3A_100 : i32
      %add3A_102 = arith.addi %mul3A_2, %mul3A_101 : i32
      "tpu.region"() ({
        %run_scoped3A = tpu.sem_alloc : memref<!tpu.dma_semaphore, #tpu.memory_space<semaphore_mem>>
        %dma_start3A_103 = arith.constant 0 : i32
        %dma_start3A_104 = tpu.memref_slice %arg5[%add3A_102, %dma_start3A_103] : memref<819200x64xf32, #tpu.memory_space<hbm>> -> memref<512x64xf32, #tpu.memory_space<hbm>>
        %dma_start3A_105 = arith.constant 0 : i32
        %dma_start3A_106 = tpu.memref_slice %arg5[%add3A_102, %dma_start3A_105] : memref<819200x64xf32, #tpu.memory_space<hbm>> -> memref<512x64xf32, #tpu.memory_space<hbm>>
        tpu.enqueue_dma source(%arg7 : memref<512x64xf32, #tpu.memory_space<vmem>>) target(%dma_start3A_106 : memref<512x64xf32, #tpu.memory_space<hbm>>) target_semaphore(%run_scoped3A : memref<!tpu.dma_semaphore, #tpu.memory_space<semaphore_mem>>)
        %dma_wait3A_107 = arith.constant 0 : i32
        %dma_wait3A_108 = tpu.memref_slice %arg5[%add3A_102, %dma_wait3A_107] : memref<819200x64xf32, #tpu.memory_space<hbm>> -> memref<512x64xf32, #tpu.memory_space<hbm>>
        %dma_wait3A_109 = arith.constant 0 : i32
        %dma_wait3A_110 = tpu.memref_slice %arg5[%add3A_102, %dma_wait3A_109] : memref<819200x64xf32, #tpu.memory_space<hbm>> -> memref<512x64xf32, #tpu.memory_space<hbm>>
        tpu.wait_dma2 semaphore(%run_scoped3A : memref<!tpu.dma_semaphore, #tpu.memory_space<semaphore_mem>>) src(%arg7 : memref<512x64xf32, #tpu.memory_space<vmem>>) dst(%dma_wait3A_110 : memref<512x64xf32, #tpu.memory_space<hbm>>)
        tpu.yield
      }) : () -> ()
    }
    %scan3A_8 = arith.constant 50 : i32
    return
  }
}

</mosaic_0001>

<sc_bundles>
// kernel: _run.3.cloned.1.call-start
scs
__scs_entry_jumppad:
0x0: {  	(pc) =	sbr.rel $0x88, $3  }
0x1: {  	(tag) =	ssettag $0x0;
	lr =	simm.s32 $0x1  }
0x2: {  	[smem:$0x3F9E] =	sst lr;
	_ =	strace $0xD0000000  }
0x3: {  	_ = 	snop  }
0x4: {  	_ = 	snop  }
0x5: {  	_ = 	snop  }
0x6: {  	_ = 	snop  }
0x7: {  	_ = 	snop  }
__scs_overlays_trampoline_lowered:
0x8: {  	[smem:$0x3FAD] =	sst s0  }
0x9: {  	[smem:$0x3FAE] =	sst s1  }
0xa: {  	[smem:$0x3FAF] =	sst s2  }
0xb: {  	[smem:$0x3FB0] =	sst s3  }
0xc: {  	[smem:$0x3FB1] =	sst s4  }
0xd: {  	[smem:$0x3FB2] =	sst s5  }
0xe: {  	[smem:$0x3FB3] =	sst s6  }
0xf: {  	[smem:$0x3FB4] =	sst s7  }
0x10: {  	[smem:$0x3FB5] =	sst s8  }
0x11: {  	[smem:$0x3FB6] =	sst s9;
	s0 =	simm.s32 @!p0 $0x0  }
0x12: {  	s1 =	sld [smem:$0x3F9C];
	s0 =	simm.s32 @p0 $0x1  }
0x13: {  	[smem:$0x3FB7] =	sst s0;
	s0 =	simm.s32 @!p1 $0x0  }
0x14: {  	s2 =	sld [smem:$0x3F9B];
	s0 =	simm.s32 @p1 $0x1  }
0x15: {  	[smem:$0x3FB8] =	sst s0;
	s0 =	simm.s32 @!p2 $0x0  }
0x16: {  	s3 =	sld [smem:$0x3FDB];
	s0 =	simm.s32 @p2 $0x1  }
0x17: {  	s4 =	simm.s32 $0x1BF5;
	[smem:$0x3FBA] =	sst s0  }
0x18: {  	s0 =	sld [smem:$0x3F9D];
	_ =	swait.ge [sflag:s4], $0x0  }
0x19: {  	s7 =	sld [smem:$0x3F9E]  }
0x1a: {  	s8 =	sadd.s32 $0xFFFFE003, lr  }
0x1b: {  	s9 =	sadd.s32 $0xFFFFFEF7, lr;
	s5 =	simm.s32 $0xFFFFFFFF;
	p2 =	slt.u32 s8, $0xFFFFF086  }
0x1c: {  	p1 =	slt.u32 s9, $0xF7A;
	s5 =	simm.s32 @!p2 $0x0  }
0x1d: {  	s5 =	simm.s32 @p1 $0x1;
	p0 =	seq.s32 s7, s2  }
0x1e: {  	s7 =	smul.u32 @!p0 $0xF7A, s2;
	p2 =	seq.s32 @!p0 s5, $0x0  }
0x1f: {  	s9 =	smul.u32 $0xF7A, s1;
	s8 =	simm.s32 @!p0 $0x1BF5;
	p2 =	por !p2, p0  }
0x20: {  	[sflag:s8] =	ssyncset.s32 @!p0 $0xFFFFF086;
	s6 =	sadd.s32 @!p0 s3, s7;
	s7 =	simm.s32 @!p0 $0x108  }
0x21: {  	s3 =	sadd.s32 s3, s9;
	s6 =	sadd.s32 @!p0 $0x88, s6;
	s7 =	simm.s32 @p2 $0x1082  }
0x22: {  	[simem:s7], [sflag:s8] =	dma.local @!p0 [hbm:s6], $0xF7A  }
0x23: {  	s9 =	sor.u32 $0xD0000000, s2;
	s6 =	simm.s32 $0x108;
	_ =	swait.ge @!p0 [sflag:s8], $0x0  }
0x24: {  	s3 =	sadd.s32 $0x88, s3;
	s6 =	simm.s32 @!p1 $0x1082;
	[sflag:s4] =	ssyncset.s32 $0xFFFFF086  }
0x25: {  	[simem:s6], [sflag:s4] =	dma.local [hbm:s3], $0xF7A  }
0x26: {  	[smem:$0x3F9E] =	sst s1;
	(tag) =	ssettag s2;
	_ =	strace s9  }
0x27: {  	s1 =	sld [smem:$0x3FAE]  }
0x28: {  	s2 =	sld [smem:$0x3FAF]  }
0x29: {  	s4 =	sld [smem:$0x3FB1]  }
0x2a: {  	p0 =	seq.s32 s5, $0x0;
	s5 =	sld [smem:$0x3FB2]  }
0x2b: {  	s6 =	sld [smem:$0x3FB3]  }
0x2c: {  	s7 =	sld [smem:$0x3FB4]  }
0x2d: {  	s3 =	simm.s32 $0x108;
	s8 =	sld [smem:$0x3FB5]  }
0x2e: {  	s3 =	simm.s32 @!p0 $0x1082;
	s9 =	sld [smem:$0x3FB6]  }
0x2f: {  	lr =	sadd.s32 s0, s3;
	s0 =	sld [smem:$0x3FAD]  }
0x30: {  	s3 =	sld [smem:$0x3FB0]  }
0x31: {  	[smem:$0x3FB9] =	sst s10  }
0x32: {  	s10 =	sld [smem:$0x3FB7];
	_ =	sdelay $0x3  }
0x33: {  	p0 =	seq.s32 s10, $0x1;
	s10 =	sld [smem:$0x3FB9];
	_ =	sdelay $0x3  }
0x34: {  	[smem:$0x3FB9] =	sst s10  }
0x35: {  	s10 =	sld [smem:$0x3FB8];
	_ =	sdelay $0x3  }
0x36: {  	p1 =	seq.s32 s10, $0x1;
	s10 =	sld [smem:$0x3FB9];
	_ =	sdelay $0x3  }
0x37: {  	[smem:$0x3FB9] =	sst s10  }
0x38: {  	s10 =	sld [smem:$0x3FBA]  }
0x39: {  	_ = 	snop;
	(pc) =	sbr.ind lr, $3  }
0x3a: {  	_ = 	snop  }
0x3b: {  	_ = 	snop  }
0x3c: {  	p2 =	seq.s32 s10, $0x1;
	s10 =	sld [smem:$0x3FB9]  }
0x3d: {  	_ =	shalt  }
0x3e: {  	_ =	shalt  }
0x3f: {  	_ =	shalt  }
0x40: {  	_ =	shalt  }
0x41: {  	_ =	shalt  }
0x42: {  	_ =	shalt  }
0x43: {  	_ =	shalt  }
0x44: {  	_ =	shalt  }
0x45: {  	_ =	shalt  }
0x46: {  	_ =	shalt  }
0x47: {  	_ =	shalt  }
0x48: {  	_ =	shalt  }
0x49: {  	_ =	shalt  }
0x4a: {  	_ =	shalt  }
0x4b: {  	_ =	shalt  }
0x4c: {  	_ =	shalt  }
0x4d: {  	_ =	shalt  }
0x4e: {  	_ =	shalt  }
0x4f: {  	_ =	shalt  }
0x50: {  	_ =	shalt  }
0x51: {  	_ =	shalt  }
0x52: {  	_ =	shalt  }
0x53: {  	_ =	shalt  }
0x54: {  	_ =	shalt  }
0x55: {  	_ =	shalt  }
0x56: {  	_ =	shalt  }
0x57: {  	_ =	shalt  }
0x58: {  	_ =	shalt  }
0x59: {  	_ =	shalt  }
0x5a: {  	_ =	shalt  }
0x5b: {  	_ =	shalt  }
0x5c: {  	_ =	shalt  }
0x5d: {  	_ =	shalt  }
0x5e: {  	_ =	shalt  }
0x5f: {  	_ =	shalt  }
0x60: {  	_ =	shalt  }
0x61: {  	_ =	shalt  }
0x62: {  	_ =	shalt  }
0x63: {  	_ =	shalt  }
0x64: {  	_ =	shalt  }
0x65: {  	_ =	shalt  }
0x66: {  	_ =	shalt  }
0x67: {  	_ =	shalt  }
0x68: {  	_ =	shalt  }
0x69: {  	_ =	shalt  }
0x6a: {  	_ =	shalt  }
0x6b: {  	_ =	shalt  }
0x6c: {  	_ =	shalt  }
0x6d: {  	_ =	shalt  }
0x6e: {  	_ =	shalt  }
0x6f: {  	_ =	shalt  }
0x70: {  	_ =	shalt  }
0x71: {  	_ =	shalt  }
0x72: {  	_ =	shalt  }
0x73: {  	_ =	shalt  }
0x74: {  	_ =	shalt  }
0x75: {  	_ =	shalt  }
0x76: {  	_ =	shalt  }
0x77: {  	_ =	shalt  }
0x78: {  	_ =	shalt  }
0x79: {  	_ =	shalt  }
0x7a: {  	_ =	shalt  }
0x7b: {  	_ =	shalt  }
0x7c: {  	_ =	shalt  }
0x7d: {  	_ =	shalt  }
0x7e: {  	_ =	shalt  }
0x7f: {  	_ =	shalt  }
0x80: {  	_ =	shalt  }
0x81: {  	_ =	shalt  }
0x82: {  	_ =	shalt  }
0x83: {  	_ =	shalt  }
0x84: {  	_ =	shalt  }
0x85: {  	_ =	shalt  }
0x86: {  	_ =	shalt  }
0x87: {  	_ =	shalt  }
.Lfunc_end0:
.L_simem_size_0:
called_computation.1_lowered:
.L_overlay_start_0:
0x88: {  	s2 =	sld [smem:$0x3FD9]  }
0x89: {  	s3 =	sld [smem:$0x3FFE];
	_ =	sdelay $0x1  }
0x8a: {  	s1 =	srdreg.scid  }
0x8b: {  	s0 =	sand.u32 $0x1, s1  }
0x8c: {  	s17 =	sshll.u32 s0, $0xA;
	s2 =	sadd.s32 s3, s2  }
0x8d: {  	s2 =	sadd.s32 s2, s17  }
0x8e: {  	[smem:$0x3FC5] =	sst s2  }
0x8f: {  	_ = 	snop  }
0x90: {  	s2 =	sld [smem:$0x3FC9]  }
0x91: {  	s18 =	sld [smem:$0x3FD0];
	(tm) =	ssettm $0x1  }
0x92: {  	s4 =	sld [smem:$0x3FFB];
	_ =	sdelay $0x3  }
0x93: {  	_ =	strace s4  }
0x94: {  	s4 =	sld [smem:$0x3FFC];
	_ =	sdelay $0x3  }
0x95: {  	_ =	strace s4  }
0x96: {  	s4 =	sld [smem:$0x3FFD];
	_ =	sdelay $0x3  }
0x97: {  	_ =	strace s4  }
0x98: {  	_ =	strace $0x8FFFFFFF  }
0x99: {  	s19 =	sld [smem:$0x3FDB];
	_ =	sdelay $0x1  }
0x9a: {  	s5 =	simm.s32 $_scs_section_size  }
0x9b: {  	s6 =	simm.s32 $_size__tile_overlayer_lowered;
	s7 =	simm.s32 $_tile_overlayer_lowered  }
0x9c: {  	s22 =	simm.s32 $0x1BFF;
	s21 =	sshll.u32 s7, $0x1;
	s4 =	sadd.s32 s5, s19  }
0x9d: {  	s8 =	simm.s32 $0x0;
	s20 =	sshll.u32 s6, $0x1;
	s6 =	sadd.s32 s21, s4  }
0x9e: {  	[timem:s8], [sflag:s22] =	dma.local [hbm:s6], s20  }
0x9f: {  	_ =	swait.ge [sflag:s22], s20  }
0xa0: {  	s5 =	ssub.s32 $0x0, s20;
	[sflag:s22] =	ssyncset.done $0x0  }
0xa1: {  	[sflag:s22] =	ssyncadd.s32 s5;
	_ =	sdelay $0x1  }
0xa2: {  	s23 =	simm.s32 $0x1B8B  }
0xa3: {  	_ =	swait.ge [sflag:s23], $0x1  }
0xa4: {  	[sflag:s23] =	ssyncset.done $0x0  }
0xa5: {  	s25 =	simm.s32 $0x1B8E;
	s24 =	sld [smem:$0x3FFE];
	[sflag:s23] =	ssyncadd.s32 $0xFFFFFFFF  }
0xa6: {  	s26 =	simm.s32 $execute0_lowered;
	[smem:$0x3FD2] =	sst s25  }
0xa7: {  	s6 =	sshll.u32 s26, $0x1;
	_ =	strace $0x80000046;
	[dreg:$0x1] =	wrdreg $0xFFFFFFFF  }
0xa8: {  	s28 =	simm.s32 $_size_execute0_lowered;
	s4 =	sadd.s32 s4, s6;
	[dreg:$0x0] =	wrdreg $0x0  }
0xa9: {  	s6 =	sshll.u32 s28, $0x1;
	[dreg:$0x2] =	wrdreg s4  }
0xaa: {  	[dreg:$0x3] =	wrdreg s6  }
0xab: {  	[dreg:$0x4] =	wrdreg $0xC0  }
0xac: {  	_ =	task [dreg:s8], $0x5FFFF  }
0xad: {  	[dreg:$0x1] =	wrdreg $0xFFFFFFFF  }
0xae: {  	[dreg:$0x0] =	wrdreg $0x60  }
0xaf: {  	[dreg:$0x2] =	wrdreg s2  }
0xb0: {  	[dreg:$0x3] =	wrdreg s24  }
0xb1: {  	[dreg:$0x4] =	wrdreg s18  }
0xb2: {  	[dreg:$0x5] =	wrdreg $0x9  }
0xb3: {  	_ =	task.clear_ibuf [dreg:s8], $0x6FFFF;
	_ =	strace $0x90000046  }
0xb4: {  	s29 =	simm.s32 $0x9;
	_ =	strace $0x80000048  }
0xb5: {  	_ =	swait.ge [sflag:s29], $0x1  }
0xb6: {  	[sflag:s29] =	ssyncadd.s32 $0xFFFFFFFF  }
0xb7: {  	_ =	strace $0x90000048  }
0xb8: {  	_ =	sfence  }
0xb9: {  	s30 =	sld [smem:$0x0];
	_ =	sdelay $0x2  }
0xba: {  	s31 =	sshll.u32 s1, $0xD;
	s1 =	sshrl.u32 s1, $0x2  }
0xbb: {  	s3 =	sand.u32 $0x4000, s31;
	s1 =	sadd.s32 s1, s30  }
0xbc: {  	s0 =	sor.u32 s3, s0;
	s1 =	sshll.u32 s1, $0x11  }
0xbd: {  	s0 =	sor.u32 s1, s0  }
0xbe: {  	s0 =	sadd.s32 $0x8F2B, s0  }
0xbf: {  	[sflag:s0] =	ssyncadd.remote.s32 $0x1  }
0xc0: {  	_ =	sfence.sel $0xFFFF  }
0xc1: {  	[dreg:$0x0] =	wrdreg $0xFFFFFFFF;
	(pc) =	sbr.abs _section_cstart, $3  }
0xc2: {  	[dreg:$0x1] =	wrdreg $0xFFFFFFFF  }
0xc3: {  	_ =	task.clear_ibuf [dreg:s8], $0x2FFFF;
	_ =	strace $0x9FFFFFFF  }
0xc4: {  	(tm) =	ssettm $0x7FFFFFFF  }
0xc5: {  	_ =	shalt  }
tec
execute0_lowered:
.L_overlay_start_1:
0x0: {  	(tag) =	ssettag $0x1  }
0x1: {  	s1 =	rddreg [dreg:$0x0]  }
0x2: {  	s6 =	rddreg [dreg:$0x1]  }
0x3: {  	s2 =	rddreg [dreg:$0x2]  }
0x4: {  	s0 =	rddreg [dreg:$0x3];
	s4 =	simm.s32 $0x0;
	s5 =	srdreg.scid  }
0x5: {  	s3 =	stileid.u32;
	s11 =	simm.s32 $0x80;
	s12 =	simm.s32 $0x200  }
0x6: {  	s13 =	simm.s32 $0x2200;
	s14 =	simm.s32 $0x100;
	s15 =	simm.s32 $0x4200  }
0x7: {  	s16 =	simm.s32 $0x180;
	s17 =	simm.s32 $0x6200;
	s18 =	simm.s32 $0x1  }
0x8: {  	s19 =	simm.s32 $0x0;
	[smem:$0x7FF] =	sst s4;
	s7 =	sand.u32 $0x1, s5  }
0x9: {  	s9 =	sshll.u32 s3, $0x1;
	s5 =	sadd.s32 $0xA00, s6;
	s8 =	ssub.s32 $0x2, s7  }
0xa: {  	s6 =	sadd.s32 $0xF42E00, s6;
	_ =	strace $0x80000047;
	s10 =	sshrl.u32 s8, $0x1  }
0xb: {  	s7 =	sor.u32 s7, s9;
	s9 =	simm.s32 $0x8200;
	s8 =	ssub.s32 s8, s10  }
0xc: {  	s7 =	smul.u32 $0x6400, s7;
	s10 =	simm.s32 $0x2;
	s8 =	smax.u32 s8, $0x1  }
.LBB2_1:
0xd: {  	[tilespmem:s9], [sflag:$0x2] =	stream.linear.gather [hbm4b:s5+s4], $0x3200, $0x38;
	[tilespmem:$0xB400] =	vst v63  }
0xe: {  	_ =	swait.ge [sflag:s10], $0x3200  }
0xf: {  	[sflag:s10] =	ssyncset.done $0x0  }
0x10: {  	s20 =	simm.s32 $0x0;
	[sflag:s10] =	ssyncadd.s32 $0xFFFFCE00  }
.LBB2_2:
0x11: {  	s22 =	sshll.u32 s20, $0x9  }
0x12: {  	s21 =	sadd.s32 s7, s22  }
0x13: {  	s23 =	sshrl.u32 s21, $0x3  }
0x14: {  	s23 =	sadd.s32 s1, s23  }
0x15: {  	[tilespmem:s4], [sflag:$0x2] =	stream.linear.gather [hbm4b:s23+s4], $0x200, $0x38;
	[tilespmem:$0xB400] =	vst v63  }
0x16: {  	_ =	swait.ge [sflag:s10], $0x200  }
0x17: {  	[sflag:s10] =	ssyncset.done $0x0  }
0x18: {  	[sflag:s10] =	ssyncadd.s32 $0xFFFFFE00  }
0x19: {  	[tilespmem:s12], [sflag:$0x1] =	stream.indirect.gather [hbm4b:s6+s11], $0x40, s4, s11, $0xb8;
	[tilespmem:$0xB400] =	vst v63  }
0x1a: {  	_ = 	snop  }
0x1b: {  	[tilespmem:s13], [sflag:$0x1] =	stream.indirect.gather [hbm4b:s6+s11], $0x40, s11, s11, $0xb8;
	[tilespmem:$0xB400] =	vst v63  }
0x1c: {  	_ = 	snop  }
0x1d: {  	[tilespmem:s15], [sflag:$0x1] =	stream.indirect.gather [hbm4b:s6+s11], $0x40, s14, s11, $0xb8;
	[tilespmem:$0xB400] =	vst v63  }
0x1e: {  	_ = 	snop  }
0x1f: {  	[tilespmem:s17], [sflag:$0x1] =	stream.indirect.gather [hbm4b:s6+s11], $0x40, s16, s11, $0xb8;
	[tilespmem:$0xB400] =	vst v63  }
0x20: {  	_ =	swait.ge [sflag:s18], $0x2000  }
0x21: {  	[sflag:s18] =	ssyncset.done $0x0  }
0x22: {  	[sflag:s18] =	ssyncadd.s32 $0xFFFFE000  }
0x23: {  	s30 =	sshll.u32 s20, $0x6;
	_ =	swait.ge [sflag:s18], $0x2000  }
0x24: {  	s23 =	sand.u32 $0x1FC0, s30;
	[sflag:s18] =	ssyncset.done $0x0  }
0x25: {  	s23 =	smul.u32 $0x147B, s23;
	[sflag:s18] =	ssyncadd.s32 $0xFFFFE000  }
0x26: {  	_ =	swait.ge [sflag:s18], $0x2000  }
0x27: {  	s23 =	sshrl.u32 s23, $0x11;
	[sflag:s18] =	ssyncset.done $0x0  }
0x28: {  	s23 =	smul.u32 $0xC8, s23;
	[sflag:s18] =	ssyncadd.s32 $0xFFFFE000  }
0x29: {  	_ =	swait.ge [sflag:s18], $0x2000  }
0x2a: {  	s22 =	ssub.s32 s22, s23;
	[sflag:s18] =	ssyncset.done $0x0  }
0x2b: {  	s23 =	simm.s32 $0x240;
	s24 =	sand.u32 $0xFFF8, s22;
	[sflag:s18] =	ssyncadd.s32 $0xFFFFE000  }
0x2c: {  	s22 =	sshll.u32 s24, $0x8;
	v0 =	vld [tilespmem:s23+$0xFFFFFFC0]  }
0x2d: {  	s25 =	sshra.s32 s22, $0x2  }
0x2e: {  	v1 =	vld [tilespmem:s25+$0x8200];
	_ =	sdelay $0x2  }
0x2f: {  	v0 =	vmul.f32 $8.000000000e+00, v0;
	_ =	sdelay $0x1  }
0x30: {  	v0 =	vadd.f32 v1, v0  }
0x31: {  	v1 =	vld [tilespmem:s23+$0xFFFFFFD0]  }
0x32: {  	[tilespmem:s23+$0xFFFFFFC0] =	vst v0  }
0x33: {  	v3 =	vld [tilespmem:s25+$0x8210];
	_ =	sdelay $0x2  }
0x34: {  	v4 =	vmul.f32 $8.000000000e+00, v1;
	_ =	sdelay $0x1  }
0x35: {  	s22 =	simm.s32 $0x2C0;
	v63 =	vld [tilespmem:s23+$0xFFFFFFE0];
	v3 =	vadd.f32 v3, v4  }
0x36: {  	v0 =	vld [tilespmem:s22+$0xFFFFFFF0]  }
0x37: {  	v1 =	vld [tilespmem:s22+$0xFFFFFFC0];
	[tilespmem:s23+$0xFFFFFFD0] =	vst v3  }
0x38: {  	v3 =	vld [tilespmem:s25+$0x8220];
	_ =	sdelay $0x2  }
0x39: {  	v4 =	vmul.f32 $8.000000000e+00, v63;
	_ =	sdelay $0x1  }
0x3a: {  	v3 =	vadd.f32 v3, v4  }
0x3b: {  	v2 =	vld [tilespmem:s23+$0xFFFFFFF0]  }
0x3c: {  	[tilespmem:s23+$0xFFFFFFE0] =	vst v3  }
0x3d: {  	v3 =	vld [tilespmem:s25+$0x8230];
	_ =	sdelay $0x2  }
0x3e: {  	s24 =	sadd.s32 $0x1, s24;
	v2 =	vmul.f32 $8.000000000e+00, v2  }
0x3f: {  	p0 =	sgt.s32 s24, $0xC7  }
0x40: {  	s24 =	simm.s32 @p0 $0x0;
	v2 =	vadd.f32 v3, v2  }
0x41: {  	s31 =	sshll.u32 s24, $0x8;
	v3 =	vld [tilespmem:s23+$0x0]  }
0x42: {  	s25 =	sshra.s32 s31, $0x2;
	[tilespmem:s23+$0xFFFFFFF0] =	vst v2  }
0x43: {  	v2 =	vld [tilespmem:s25+$0x8200];
	_ =	sdelay $0x2  }
0x44: {  	v3 =	vmul.f32 $8.000000000e+00, v3;
	_ =	sdelay $0x1  }
0x45: {  	v2 =	vadd.f32 v2, v3  }
0x46: {  	v3 =	vld [tilespmem:s23+$0x10]  }
0x47: {  	[tilespmem:s23+$0x0] =	vst v2  }
0x48: {  	v2 =	vld [tilespmem:s25+$0x8210];
	_ =	sdelay $0x2  }
0x49: {  	v3 =	vmul.f32 $8.000000000e+00, v3;
	_ =	sdelay $0x1  }
0x4a: {  	v2 =	vadd.f32 v2, v3  }
0x4b: {  	v3 =	vld [tilespmem:s23+$0x20]  }
0x4c: {  	[tilespmem:s23+$0x10] =	vst v2  }
0x4d: {  	v2 =	vld [tilespmem:s25+$0x8220];
	_ =	sdelay $0x2  }
0x4e: {  	v3 =	vmul.f32 $8.000000000e+00, v3;
	_ =	sdelay $0x1  }
0x4f: {  	v2 =	vadd.f32 v2, v3  }
0x50: {  	v3 =	vld [tilespmem:s23+$0x30]  }
0x51: {  	[tilespmem:s23+$0x20] =	vst v2  }
0x52: {  	v2 =	vld [tilespmem:s25+$0x8230];
	_ =	sdelay $0x2  }
0x53: {  	s24 =	sadd.s32 $0x1, s24;
	v3 =	vmul.f32 $8.000000000e+00, v3  }
0x54: {  	p0 =	sgt.s32 s24, $0xC7  }
0x55: {  	s24 =	simm.s32 @p0 $0x0;
	v2 =	vadd.f32 v2, v3  }
0x56: {  	s26 =	sshll.u32 s24, $0x8;
	s25 =	simm.s32 $0x2  }
.LBB2_3:
0x57: {  	s25 =	sadd.s32 $0x2, s25;
	s26 =	sshra.s32 s26, $0x2;
	[tilespmem:s23+$0x30] =	vst v2;
	s23 =	smov.u32 s22  }
0x58: {  	p0 =	slt.u32 s25, $0x1FE;
	v2 =	vld [tilespmem:s26+$0x8200];
	_ =	sdelay $0x2  }
0x59: {  	v1 =	vmul.f32 $8.000000000e+00, v1;
	_ =	sdelay $0x1  }
0x5a: {  	v1 =	vadd.f32 v2, v1  }
0x5b: {  	v2 =	vld [tilespmem:s22+$0xFFFFFFD0]  }
0x5c: {  	[tilespmem:s22+$0xFFFFFFC0] =	vst v1  }
0x5d: {  	s22 =	sadd.s32 $0x80, s22;
	v3 =	vld [tilespmem:s26+$0x8210]  }
0x5e: {  	v1 =	vld [tilespmem:s22+$0xFFFFFFC0]  }
0x5f: {  	v4 =	vld [tilespmem:s22+$0xFFFFFFF0]  }
0x60: {  	v2 =	vmul.f32 $8.000000000e+00, v2;
	_ =	sdelay $0x1  }
0x61: {  	v2 =	vadd.f32 v3, v2  }
0x62: {  	v3 =	vld [tilespmem:s23+$0xFFFFFFE0]  }
0x63: {  	[tilespmem:s23+$0xFFFFFFD0] =	vst v2  }
0x64: {  	v2 =	vld [tilespmem:s26+$0x8220];
	_ =	sdelay $0x2  }
0x65: {  	v3 =	vmul.f32 $8.000000000e+00, v3;
	_ =	sdelay $0x1  }
0x66: {  	v2 =	vadd.f32 v2, v3;
	_ =	sdelay $0x1  }
0x67: {  	[tilespmem:s23+$0xFFFFFFE0] =	vst v2  }
0x68: {  	v2 =	vld [tilespmem:s26+$0x8230];
	_ =	sdelay $0x2  }
0x69: {  	s24 =	sadd.s32 $0x1, s24;
	v3 =	vmul.f32 $8.000000000e+00, v0;
	v0 =	vmov v4  }
0x6a: {  	p1 =	sgt.s32 s24, $0xC7  }
0x6b: {  	s24 =	simm.s32 @p1 $0x0;
	v2 =	vadd.f32 v2, v3  }
0x6c: {  	s26 =	sshll.u32 s24, $0x8;
	s24 =	sadd.s32 $0x1, s24;
	v3 =	vld [tilespmem:s23+$0x0]  }
0x6d: {  	s26 =	sshra.s32 s26, $0x2;
	p1 =	sgt.s32 s24, $0xC7;
	[tilespmem:s23+$0xFFFFFFF0] =	vst v2  }
0x6e: {  	s24 =	simm.s32 @p1 $0x0;
	v2 =	vld [tilespmem:s26+$0x8200];
	_ =	sdelay $0x2  }
0x6f: {  	v3 =	vmul.f32 $8.000000000e+00, v3;
	_ =	sdelay $0x1  }
0x70: {  	v2 =	vadd.f32 v2, v3  }
0x71: {  	v3 =	vld [tilespmem:s23+$0x10]  }
0x72: {  	[tilespmem:s23+$0x0] =	vst v2  }
0x73: {  	v2 =	vld [tilespmem:s26+$0x8210];
	_ =	sdelay $0x2  }
0x74: {  	v3 =	vmul.f32 $8.000000000e+00, v3;
	_ =	sdelay $0x1  }
0x75: {  	v2 =	vadd.f32 v2, v3  }
0x76: {  	v3 =	vld [tilespmem:s23+$0x20]  }
0x77: {  	[tilespmem:s23+$0x10] =	vst v2  }
0x78: {  	v2 =	vld [tilespmem:s26+$0x8220];
	_ =	sdelay $0x2  }
0x79: {  	v3 =	vmul.f32 $8.000000000e+00, v3;
	_ =	sdelay $0x1  }
0x7a: {  	v2 =	vadd.f32 v2, v3  }
0x7b: {  	v3 =	vld [tilespmem:s23+$0x30]  }
0x7c: {  	[tilespmem:s23+$0x20] =	vst v2  }
0x7d: {  	v2 =	vld [tilespmem:s26+$0x8230];
	_ =	sdelay $0x1  }
.Ltmp0:
0x7e: {  	(pc) =	sbr.rel @p0 .LBB2_3-.Ltmp0, $3  }
0x7f: {  	v3 =	vmul.f32 $8.000000000e+00, v3;
	_ =	sdelay $0x1  }
0x80: {  	v2 =	vadd.f32 v2, v3  }
0x81: {  	s26 =	sshll.u32 s24, $0x8  }
0x82: {  	s25 =	sshra.s32 s26, $0x2;
	[tilespmem:s23+$0x30] =	vst v2  }
0x83: {  	v2 =	vld [tilespmem:s25+$0x8200];
	_ =	sdelay $0x2  }
0x84: {  	v1 =	vmul.f32 $8.000000000e+00, v1;
	_ =	sdelay $0x1  }
0x85: {  	v1 =	vadd.f32 v2, v1  }
0x86: {  	v58 =	vld [tilespmem:s22+$0xFFFFFFD0]  }
0x87: {  	[tilespmem:s22+$0xFFFFFFC0] =	vst v1  }
0x88: {  	v1 =	vld [tilespmem:s25+$0x8210];
	_ =	sdelay $0x2  }
0x89: {  	v2 =	vmul.f32 $8.000000000e+00, v58;
	_ =	sdelay $0x1  }
0x8a: {  	v1 =	vadd.f32 v1, v2  }
0x8b: {  	v59 =	vld [tilespmem:s22+$0xFFFFFFE0]  }
0x8c: {  	[tilespmem:s22+$0xFFFFFFD0] =	vst v1  }
0x8d: {  	v1 =	vld [tilespmem:s25+$0x8220];
	_ =	sdelay $0x2  }
0x8e: {  	v2 =	vmul.f32 $8.000000000e+00, v59;
	_ =	sdelay $0x1  }
0x8f: {  	v1 =	vadd.f32 v1, v2;
	_ =	sdelay $0x1  }
0x90: {  	[tilespmem:s22+$0xFFFFFFE0] =	vst v1  }
0x91: {  	v1 =	vld [tilespmem:s25+$0x8230];
	_ =	sdelay $0x2  }
0x92: {  	v0 =	vmul.f32 $8.000000000e+00, v0;
	s23 =	sadd.s32 $0x1, s24  }
0x93: {  	p0 =	sgt.s32 s23, $0xC7  }
0x94: {  	s23 =	simm.s32 @p0 $0x0;
	v0 =	vadd.f32 v1, v0  }
0x95: {  	v60 =	vld [tilespmem:s22+$0x0];
	s23 =	sshll.u32 s23, $0x8  }
0x96: {  	s23 =	sshra.s32 s23, $0x2;
	[tilespmem:s22+$0xFFFFFFF0] =	vst v0  }
0x97: {  	v0 =	vld [tilespmem:s23+$0x8200];
	_ =	sdelay $0x2  }
0x98: {  	v1 =	vmul.f32 $8.000000000e+00, v60;
	_ =	sdelay $0x1  }
0x99: {  	v0 =	vadd.f32 v0, v1  }
0x9a: {  	v61 =	vld [tilespmem:s22+$0x10]  }
0x9b: {  	[tilespmem:s22+$0x0] =	vst v0  }
0x9c: {  	v0 =	vld [tilespmem:s23+$0x8210];
	_ =	sdelay $0x2  }
0x9d: {  	v1 =	vmul.f32 $8.000000000e+00, v61;
	_ =	sdelay $0x1  }
0x9e: {  	v0 =	vadd.f32 v0, v1  }
0x9f: {  	v62 =	vld [tilespmem:s22+$0x20]  }
0xa0: {  	[tilespmem:s22+$0x10] =	vst v0  }
0xa1: {  	v0 =	vld [tilespmem:s23+$0x8220];
	_ =	sdelay $0x2  }
0xa2: {  	v1 =	vmul.f32 $8.000000000e+00, v62;
	_ =	sdelay $0x1  }
0xa3: {  	v0 =	vadd.f32 v0, v1  }
0xa4: {  	v63 =	vld [tilespmem:s22+$0x30]  }
0xa5: {  	[tilespmem:s22+$0x20] =	vst v0  }
0xa6: {  	v0 =	vld [tilespmem:s23+$0x8230];
	_ =	sdelay $0x2  }
0xa7: {  	v1 =	vmul.f32 $8.000000000e+00, v63;
	_ =	sdelay $0x1  }
0xa8: {  	s20 =	sadd.s32 $0x1, s20;
	v0 =	vadd.f32 v0, v1  }
0xa9: {  	s21 =	sshll.u32 s21, $0x3;
	p0 =	sne.s32 s20, $0x32  }
.Ltmp1:
0xaa: {  	s21 =	sadd.s32 s2, s21;
	[tilespmem:s22+$0x30] =	vst v0;
	(pc) =	sbr.rel @p0 .LBB2_2-.Ltmp1, $4  }
0xab: {  	[hbm4b:s21+s4] =	stream.linear.scatter [tilespmem:s12], [sflag:$0x2], $0x8000, $0x38;
	[tilespmem:$0xB400] =	vst v63  }
0xac: {  	_ =	swait.ge [sflag:s10], $0x8000  }
0xad: {  	[sflag:s10] =	ssyncset.done $0x0  }
0xae: {  	[sflag:s10] =	ssyncadd.s32 $0xFFFF8000  }
0xaf: {  	s19 =	sadd.s32 $0x1, s19  }
0xb0: {  	p0 =	sne.s32 s19, s8  }
.Ltmp2:
0xb1: {  	_ = 	snop;
	(pc) =	sbr.rel @p0 .LBB2_1-.Ltmp2, $1  }
0xb2: {  	_ =	sdelay $0x3  }
0xb3: {  	_ =	sfence.sel $0x180000  }
0xb4: {  	[bflag:$0x0] =	sbarrier.arrive $0xFFFF  }
0xb5: {  	p0 =	sne.s32 s3, $0x0;
	_ =	strace $0x90000047  }
0xb6: {  	s0 =	sadd.s32 @!p0 $0x100000, s0;
	[bflag:$0x2] =	sbarrier.arrive $0xFFFF  }
0xb7: {  	[sflag:s0] =	ssyncadd.tile.s32 @!p0 $0x1;
	_ =	shalt  }
.Lfunc_end2:
_tile_overlayer_lowered:
.L_overlay_start_2:
0xb8: {  	(tag) =	ssettag $0x2  }
0xb9: {  	s0 =	rddreg [dreg:$0x0];
	s2 =	stileid.u32  }
0xba: {  	s1 =	rddreg [dreg:$0x1];
	p0 =	sne.s32 s2, $0x0  }
0xbb: {  	s3 =	rddreg [dreg:$0x2];
	[bflag:$0x3] =	sbarrier.arrive $0xFFFF;
	s2 =	simm.s32 @!p0 $0x1C02  }
0xbc: {  	[timem:s3], [sflag:s2] =	dma.local @!p0 [hbm:s0], s1  }
0xbd: {  	s0 =	simm.s32 @!p0 $0x2  }
0xbe: {  	_ =	swait.ge @!p0 [sflag:s0], s1  }
0xbf: {  	s1 =	ssub.s32 @!p0 $0x0, s1;
	[sflag:s0] =	ssyncset.done @!p0 $0x0  }
0xc0: {  	[sflag:s0] =	ssyncadd.s32 @!p0 s1  }
0xc1: {  	[bflag:$0x3] =	sbarrier.arrive $0xFFFF  }
0xc2: {  	_ =	shalt  }

// kernel: sparse-core-data-format-call.cloned.1.call-start
scs
called_computation_lowered:
.L_overlay_start_0:
0x0: {  	s2 =	sld [smem:$0x3FD9]  }
0x1: {  	s3 =	sld [smem:$0x3FFE];
	_ =	sdelay $0x1  }
0x2: {  	s1 =	srdreg.scid  }
0x3: {  	s0 =	sand.u32 $0x1, s1  }
0x4: {  	s18 =	sshll.u32 s0, $0xA;
	s2 =	sadd.s32 s3, s2  }
0x5: {  	s2 =	sadd.s32 s2, s18  }
0x6: {  	[smem:$0x3FC5] =	sst s2  }
0x7: {  	_ = 	snop  }
0x8: {  	s2 =	sld [smem:$0x3FD0];
	(tm) =	ssettm $0x1  }
0x9: {  	s19 =	sld [smem:$0x3FFB];
	_ =	sdelay $0x3  }
0xa: {  	_ =	strace s19  }
0xb: {  	s3 =	sld [smem:$0x3FFC];
	_ =	sdelay $0x3  }
0xc: {  	_ =	strace s3  }
0xd: {  	s3 =	sld [smem:$0x3FFD];
	_ =	sdelay $0x3  }
0xe: {  	_ =	strace s3  }
0xf: {  	_ =	strace $0x8FFFFFFF  }
0x10: {  	s20 =	sld [smem:$0x3FDB];
	_ =	sdelay $0x1  }
0x11: {  	s4 =	simm.s32 $_scs_section_size  }
0x12: {  	s5 =	simm.s32 $_size__tile_overlayer_lowered;
	s6 =	simm.s32 $_tile_overlayer_lowered  }
0x13: {  	s23 =	simm.s32 $0x1BFF;
	s22 =	sshll.u32 s6, $0x1;
	s3 =	sadd.s32 s4, s20  }
0x14: {  	s7 =	simm.s32 $0x0;
	s21 =	sshll.u32 s5, $0x1;
	s5 =	sadd.s32 s22, s3  }
0x15: {  	[timem:s7], [sflag:s23] =	dma.local [hbm:s5], s21  }
0x16: {  	_ =	swait.ge [sflag:s23], s21  }
0x17: {  	s4 =	ssub.s32 $0x0, s21;
	[sflag:s23] =	ssyncset.done $0x0  }
0x18: {  	[sflag:s23] =	ssyncadd.s32 s4;
	_ =	sdelay $0x1  }
0x19: {  	s24 =	simm.s32 $0x1B8B  }
0x1a: {  	_ =	swait.ge [sflag:s24], $0x1  }
0x1b: {  	[sflag:s24] =	ssyncset.done $0x0  }
0x1c: {  	s26 =	simm.s32 $0x1B8E;
	s25 =	sld [smem:$0x3FFE];
	[sflag:s24] =	ssyncadd.s32 $0xFFFFFFFF  }
0x1d: {  	s27 =	simm.s32 $execute0_lowered;
	[smem:$0x3FD2] =	sst s26  }
0x1e: {  	s5 =	sshll.u32 s27, $0x1;
	_ =	strace $0x80000049;
	[dreg:$0x1] =	wrdreg $0xFFFFFFFF  }
0x1f: {  	s28 =	simm.s32 $_size_execute0_lowered;
	s3 =	sadd.s32 s3, s5;
	[dreg:$0x0] =	wrdreg $0x0  }
0x20: {  	s5 =	sshll.u32 s28, $0x1;
	[dreg:$0x2] =	wrdreg s3  }
0x21: {  	[dreg:$0x3] =	wrdreg s5  }
0x22: {  	[dreg:$0x4] =	wrdreg $0xC0  }
0x23: {  	_ =	task [dreg:s7], $0x5FFFF  }
0x24: {  	[dreg:$0x1] =	wrdreg $0xFFFFFFFF  }
0x25: {  	[dreg:$0x0] =	wrdreg $0x60  }
0x26: {  	[dreg:$0x2] =	wrdreg s25  }
0x27: {  	[dreg:$0x3] =	wrdreg s2  }
0x28: {  	[dreg:$0x4] =	wrdreg $0x9  }
0x29: {  	_ =	task.clear_ibuf [dreg:s7], $0x5FFFF;
	_ =	strace $0x90000049  }
0x2a: {  	s29 =	simm.s32 $0x9;
	_ =	strace $0x8000004B  }
0x2b: {  	_ =	swait.ge [sflag:s29], $0x1  }
0x2c: {  	[sflag:s29] =	ssyncadd.s32 $0xFFFFFFFF  }
0x2d: {  	_ =	strace $0x9000004B  }
0x2e: {  	_ =	sfence  }
0x2f: {  	s30 =	sld [smem:$0x0];
	_ =	sdelay $0x2  }
0x30: {  	s31 =	sshll.u32 s1, $0xD;
	s1 =	sshrl.u32 s1, $0x2  }
0x31: {  	s3 =	sand.u32 $0x4000, s31;
	s1 =	sadd.s32 s1, s30  }
0x32: {  	s0 =	sor.u32 s3, s0;
	s1 =	sshll.u32 s1, $0x11  }
0x33: {  	s0 =	sor.u32 s1, s0  }
0x34: {  	s0 =	sadd.s32 $0x8F2B, s0  }
0x35: {  	[sflag:s0] =	ssyncadd.remote.s32 $0x1  }
0x36: {  	_ =	sfence.sel $0xFFFF  }
0x37: {  	[dreg:$0x0] =	wrdreg $0xFFFFFFFF;
	(pc) =	sbr.abs _section_cstart, $3  }
0x38: {  	[dreg:$0x1] =	wrdreg $0xFFFFFFFF  }
0x39: {  	_ =	task.clear_ibuf [dreg:s7], $0x2FFFF;
	_ =	strace $0x9FFFFFFF  }
0x3a: {  	(tm) =	ssettm $0x7FFFFFFF  }
0x3b: {  	_ =	shalt  }
tec
execute0_lowered:
.L_overlay_start_1:
0x0: {  	(tag) =	ssettag $0x1  }
0x1: {  	s0 =	srdreg.scid  }
0x2: {  	s1 =	sshll.u32 s0, $0x4  }
0x3: {  	s4 =	rddreg [dreg:$0x0];
	s0 =	stileid.u32;
	s1 =	sand.u32 $0x10, s1  }
0x4: {  	s2 =	rddreg [dreg:$0x1];
	s7 =	simm.s32 $0x1;
	s1 =	sor.u32 s0, s1  }
0x5: {  	s8 =	simm.s32 $0x2;
	s11 =	simm.s32 $0x0;
	s3 =	sshll.u32 s1, $0x7  }
0x6: {  	s10 =	simm.s32 $0x0;
	s4 =	sadd.s32 $0xA00, s4;
	s6 =	ssub.s32 $0xC8000, s3  }
.Ltmp0:
0x7: {  	s1 =	rddreg [dreg:$0x2];
	s5 =	sand.u32 $0xF80, s6;
	(pc) =	sbr.rel .LBB1_1-.Ltmp0, $4  }
0x8: {  	_ =	strace $0x8000004A;
	s9 =	smov.u32 s3;
	p0 =	sne.s32 s5, $0x0  }
0x9: {  	s6 =	sshrl.u32 s6, $0xC;
	s5 =	simm.s32 $0x1;
	s7 =	simm.s32 @!p0 $0x0  }
0xa: {  	[sflag:s5] =	ssyncpa.u1 $0x0;
	p0 =	por $0x0, $0x0;
	s6 =	sadd.s32 s7, s6  }
0xb: {  	[sflag:s8] =	ssyncpa.u1 $0x0;
	s8 =	simm.s32 $0x640000;
	s7 =	sadd.s32 $0x1, s6  }
.LBB1_4:
0xc: {  	s14 =	sshll.u32 s11, $0x3  }
0xd: {  	s30 =	sand.u32 $0x7F, s11;
	s15 =	sand.u32 $0xFFFFFC00, s14  }
0xe: {  	s11 =	sor.u32 s30, s15  }
0xf: {  	s15 =	smulhi.u32 $0x51EB851F, s11  }
0x10: {  	s14 =	smulhi.u32 $0x51EB851F, s14  }
0x11: {  	s15 =	sshrl.u32 s15, $0x12  }
0x12: {  	s14 =	sshrl.u32 s14, $0x12;
	s15 =	smul.u32 $0xC8000, s15  }
0x13: {  	s14 =	sand.u32 $0x3F, s14  }
0x14: {  	s14 =	smul.u32 $0x19000, s14;
	s11 =	ssub.s32 s11, s15  }
0x15: {  	[tilespmem:s13+$0x810 ss:$0x81] =	vst.msk $0xffff, v2;
	s15 =	sand.u32 $0x7, s11  }
0x16: {  	[tilespmem:s13+$0x1020 ss:$0x81] =	vst.msk $0xffff, v0;
	s14 =	sadd.s32 s2, s14;
	s11 =	sshrl.u32 s11, $0x3;
	s15 =	sshll.u32 s15, $0x12  }
0x17: {  	[tilespmem:s13+$0x0 ss:$0x81] =	vst.msk $0xffff, v1;
	s11 =	sadd.s32 s11, s14;
	s31 =	sor.u32 $0x400, s15  }
0x18: {  	[hbm4b:s11+s31] =	stream.strided.scatter [tilespmem:s12], [sflag:$0x2], $0x2000, s8, s31, $0x20;
	[tilespmem:$0x8080] =	vst v63  }
.LBB1_5:
0x19: {  	s13 =	sadd.s32 $0x1000, s9  }
0x1a: {  	p2 =	sgt.s32 s13, $0xC7FFF  }
0x1b: {  	s13 =	smov.u32 @p2 s3;
	p2 =	sne.s32 s10, s7  }
.Ltmp1:
0x1c: {  	p1 =	slt.u32 s10, $0x2;
	(pc) =	sbr.rel @!p2 .LBB1_6-.Ltmp1, $4  }
0x1d: {  	s12 =	simm.s32 @!p1 $0x2  }
0x1e: {  	s14 =	sadd.s32 $0x1, s10;
	_ =	swait.ge @!p1 [sflag:s12], $0x2000  }
0x1f: {  	s11 =	smov.u32 s9;
	p0 =	por !p0, !p0;
	[sflag:s12] =	ssyncset.done @!p1 $0x0  }
0x20: {  	s10 =	smov.u32 s14;
	s9 =	smov.u32 s13;
	[sflag:s12] =	ssyncadd.s32 @!p1 $0xFFFFE000  }
.LBB1_1:
0x21: {  	p1 =	sge.u32 s10, s6  }
0x22: {  	s12 =	sand.u32 @!p1 $0x1FFFFFF, s9  }
0x23: {  	s13 =	smulhi.u32 @!p1 $0x147AE15, s12;
	_ =	sdelay $0x1  }
0x24: {  	s13 =	sshrl.u32 @!p1 s13, $0xC  }
0x25: {  	s13 =	smul.u32 @!p1 $0xC8000, s13;
	_ =	sdelay $0x1  }
0x26: {  	s31 =	sadd.s32 $0xFFFFFFFF, s10;
	s14 =	sxor.u32 @!p1 $0xFFFFFFFF, s10;
	s12 =	ssub.s32 @!p1 s12, s13  }
0x27: {  	s15 =	simm.s32 @!p1 $0x80;
	s14 =	sshll.u32 @!p1 s14, $0xD;
	s12 =	sshll.u32 @!p1 s12, $0x4  }
0x28: {  	s13 =	sand.u32 @!p1 $0x2000, s14;
	s14 =	simm.s32 @!p1 $0x40;
	s12 =	sadd.s32 @!p1 s4, s12  }
0x29: {  	[tilespmem:s13], [sflag:$0x1] =	stream.strided.gather @!p1 [hbm4b:s12+s14], $0x2000, s15, s14, $0x38;
	[tilespmem:$0x8080] =	vst v63  }
0x2a: {  	p1 =	sge.u32 s31, s6  }
.Ltmp2:
0x2b: {  	_ = 	snop;
	(pc) =	sbr.rel @p1 .LBB1_5-.Ltmp2, $1  }
0x2c: {  	_ =	sdelay $0x3  }
0x2d: {  	s12 =	simm.s32 $0x1  }
0x2e: {  	_ =	swait.ge [sflag:s5], $0x2000;
	s12 =	simm.s32 @!p0 $0x0  }
0x2f: {  	[sflag:s5] =	ssyncset.done $0x0;
	s13 =	sshll.u32 s12, $0xD  }
0x30: {  	[sflag:s5] =	ssyncadd.s32 $0xFFFFE000;
	s16 =	sor.u32 $0x20, s13  }
0x31: {  	s12 =	smul.u32 $0x8100, s12;
	v3 =	vld [tilespmem:s16+$0x10]  }
0x32: {  	s30 =	sand.u32 $0x1, s10;
	v2 =	vld [tilespmem:s16+$0xFFFFFFF0]  }
0x33: {  	s13 =	smul.u32 $0x8100, s30;
	s12 =	sshrl.u32 s12, $0x2;
	v0 =	vld [tilespmem:s16+$0x0]  }
0x34: {  	v1 =	vld [tilespmem:s16+$0xFFFFFFE0];
	s14 =	sor.u32 $0x4000, s12  }
0x35: {  	s31 =	sshrl.u32 s13, $0x2;
	s13 =	sadd.s32 $0x0, s14  }
0x36: {  	s15 =	simm.s32 $0x4;
	s16 =	sadd.s32 $0x40, s16;
	s12 =	sor.u32 $0x4000, s31;
	[tilespmem:s13+$0x1830 ss:$0x81] =	vst.msk $0xffff, v3  }
.LBB1_3:
0x37: {  	v3 =	vld [tilespmem:s16+$0x10];
	p1 =	sne.s32 s15, $0x1FC;
	[tilespmem:s13+$0x810 ss:$0x81] =	vst.msk $0xffff, v2;
	s17 =	smov.u32 s15;
	s15 =	sadd.s32 $0x4, s15  }
.Ltmp3:
0x38: {  	v2 =	vld [tilespmem:s16+$0xFFFFFFF0];
	[tilespmem:s13+$0x1020 ss:$0x81] =	vst.msk $0xffff, v0;
	(pc) =	sbr.rel @p1 .LBB1_3-.Ltmp3, $4  }
0x39: {  	v0 =	vld [tilespmem:s16+$0x0];
	[tilespmem:s13+$0x0 ss:$0x81] =	vst.msk $0xffff, v1  }
0x3a: {  	s13 =	sshra.s32 s17, $0x2;
	v1 =	vld [tilespmem:s16+$0xFFFFFFE0]  }
0x3b: {  	s13 =	sadd.s32 s13, s14  }
0x3c: {  	s16 =	sadd.s32 $0x40, s16;
	[tilespmem:s13+$0x1830 ss:$0x81] =	vst.msk $0xffff, v3  }
.Ltmp4:
0x3d: {  	_ = 	snop;
	(pc) =	sbr.rel .LBB1_4-.Ltmp4, $1  }
0x3e: {  	_ =	sdelay $0x3  }
.LBB1_6:
0x3f: {  	_ =	sfence.sel $0x180000  }
0x40: {  	s2 =	simm.s32 $0x1;
	[bflag:$0x0] =	sbarrier.arrive $0xFFFF  }
0x41: {  	s31 =	simm.s32 $0x2;
	[sflag:s2] =	ssyncpa.u1 $0x1  }
0x42: {  	[sflag:s31] =	ssyncpa.u1 $0x1  }
0x43: {  	p0 =	sne.s32 s0, $0x0;
	_ =	strace $0x9000004A  }
0x44: {  	s0 =	sadd.s32 @!p0 $0x100000, s1;
	[bflag:$0x2] =	sbarrier.arrive $0xFFFF  }
0x45: {  	[sflag:s0] =	ssyncadd.tile.s32 @!p0 $0x1;
	_ =	shalt  }
.Lfunc_end1:
_tile_overlayer_lowered:
.L_overlay_start_2:
0x46: {  	(tag) =	ssettag $0x2  }
0x47: {  	s0 =	rddreg [dreg:$0x0];
	s2 =	stileid.u32  }
0x48: {  	s1 =	rddreg [dreg:$0x1];
	p0 =	sne.s32 s2, $0x0  }
0x49: {  	s3 =	rddreg [dreg:$0x2];
	[bflag:$0x3] =	sbarrier.arrive $0xFFFF;
	s2 =	simm.s32 @!p0 $0x1C01  }
0x4a: {  	[timem:s3], [sflag:s2] =	dma.local @!p0 [hbm:s0], s1  }
0x4b: {  	s0 =	simm.s32 @!p0 $0x1  }
0x4c: {  	_ =	swait.ge @!p0 [sflag:s0], s1  }
0x4d: {  	s1 =	ssub.s32 @!p0 $0x0, s1;
	[sflag:s0] =	ssyncset.done @!p0 $0x0  }
0x4e: {  	[sflag:s0] =	ssyncadd.s32 @!p0 s1  }
0x4f: {  	[bflag:$0x3] =	sbarrier.arrive $0xFFFF  }
0x50: {  	_ =	shalt  }

</sc_bundles>
